<compile_context>
chip_gen: v7x
topology: tpu7x:2x2x1
jax: 0.10.2.dev20260603
libtpu: 0.0.44.dev20260713+nightly
codegen_flags: <defaults>
</compile_context>

<pallas_src>
import jax
import jax.numpy as jnp
from jax.experimental import pallas as pl
from jax.experimental.pallas import tpu as pltpu

_N = 4194304
_ROUT = _N // 128
_BR = 8192


def _tc_body(w_ref, b_ref, x_ref, o_ref):
    a = x_ref[0]
    b = x_ref[1]
    c = x_ref[2]
    mn = jnp.minimum(jnp.minimum(a, b), c)
    mx = jnp.maximum(jnp.maximum(a, b), c)
    sm = a + b + c
    w0 = w_ref[0, 0]
    w1 = w_ref[0, 1]
    w2 = w_ref[0, 2]
    o_ref[...] = sm * w1 + mn * (w0 - w1) + mx * (w2 - w1) + b_ref[0]


def kernel(x, W, b):
    xtr = jnp.transpose(x).reshape(3, _ROUT, 128)
    out = pl.pallas_call(
        _tc_body,
        grid=(_ROUT // _BR,),
        in_specs=[
            pl.BlockSpec(memory_space=pltpu.SMEM),
            pl.BlockSpec(memory_space=pltpu.SMEM),
            pl.BlockSpec((3, _BR, 128), lambda i: (0, i, 0)),
        ],
        out_specs=pl.BlockSpec((_BR, 128), lambda i: (i, 0)),
        out_shape=jax.ShapeDtypeStruct((_ROUT, 128), jnp.float32),
    )(W, b, xtr)
    return out.reshape(_N, 1)

# --- scband reference (transcript-rebuilt; emitter-appended) ---
"""Pipeline reference for scband-sorting-regression-model-35785667510837 (READ-ONLY COPY).

The authoritative reference and input builder live on the scoring server;
editing this copy changes nothing except your own understanding.
"""

import jax, jax.numpy as jnp
import numpy as np


def setup_inputs(seed: int = 0) -> dict:
    key = jax.random.key(seed)
    kx, kw, kb = jax.random.split(key, 3)
    x = jax.random.normal(kx, (4194304, 3), dtype=jnp.float32)
    # nn.Linear(3, 1) parameters, kaiming-uniform-ish init
    bound = 1.0 / np.sqrt(3.0)
    W = jax.random.uniform(kw, (1, 3), dtype=jnp.float32, minval=-bound, maxval=bound)
    b = jax.random.uniform(kb, (1,), dtype=jnp.float32, minval=-bound, maxval=bound)
    return {"x": x, "W": W, "b": b}


def reference(x, W, b):
    # DiffSortFunction: differentiable sort along the last dim.
    # Forward pass is an exact sort (regularization affects only backward smoothing;
    # jnp.sort's VJP permutes gradients, matching the hard-sort forward).
    sorted_x = jnp.sort(x, axis=-1)
    # nn.Linear(3, 1)
    output = sorted_x @ W.T + b
    return output

if __name__ == "__main__":
    import jax
    _d = setup_inputs()
    print(jax.jit(kernel)(*tuple(_d.values())))

</pallas_src>

<mosaic_0001>
module attributes {stable_mosaic.version = 14 : i64} {
  func.func @_tc_body(%arg0: i32, %arg1: memref<1x3xf32, #tpu.memory_space<smem>>, %arg2: memref<1xf32, #tpu.memory_space<smem>>, %arg3: memref<3x8192x128xf32, #tpu.memory_space<vmem>>, %arg4: memref<8192x128xf32, #tpu.memory_space<vmem>>) attributes {dimension_semantics = [#tpu.dimension_semantics<arbitrary>], iteration_bounds = array<i64: 4>, scalar_prefetch = 0 : i64, scratch_operands = 0 : i64, tpu.core_type = #tpu.core_type<tc>, window_params = [{transform_indices = @transform_0, window_bounds = array<i64: 1, 3>}, {transform_indices = @transform_1, window_bounds = array<i64: 1>}, {transform_indices = @transform_2, window_bounds = array<i64: 3, 8192, 128>}, {transform_indices = @transform_3, window_bounds = array<i64: 8192, 128>}]} {
    %get3A = arith.constant 0 : index
    %get3A_0 = arith.constant 0 : index
    %get3A_1 = arith.constant 0 : index
    %get3A_2 = vector.load %arg3[%get3A, %get3A_0, %get3A_1] : memref<3x8192x128xf32, #tpu.memory_space<vmem>>, vector<1x8192x128xf32>
    %get3A_3 = vector.shape_cast %get3A_2 : vector<1x8192x128xf32> to vector<8192x128xf32>
    %get3A_4 = arith.constant 1 : index
    %get3A_5 = arith.constant 0 : index
    %get3A_6 = arith.constant 0 : index
    %get3A_7 = vector.load %arg3[%get3A_4, %get3A_5, %get3A_6] : memref<3x8192x128xf32, #tpu.memory_space<vmem>>, vector<1x8192x128xf32>
    %get3A_8 = vector.shape_cast %get3A_7 : vector<1x8192x128xf32> to vector<8192x128xf32>
    %get3A_9 = arith.constant 2 : index
    %get3A_10 = arith.constant 0 : index
    %get3A_11 = arith.constant 0 : index
    %get3A_12 = vector.load %arg3[%get3A_9, %get3A_10, %get3A_11] : memref<3x8192x128xf32, #tpu.memory_space<vmem>>, vector<1x8192x128xf32>
    %get3A_13 = vector.shape_cast %get3A_12 : vector<1x8192x128xf32> to vector<8192x128xf32>
    %min3A = arith.minimumf %get3A_3, %get3A_8 : vector<8192x128xf32>
    %min3A_14 = arith.minimumf %min3A, %get3A_13 : vector<8192x128xf32>
    %max3A = arith.maximumf %get3A_3, %get3A_8 : vector<8192x128xf32>
    %max3A_15 = arith.maximumf %max3A, %get3A_13 : vector<8192x128xf32>
    %add3A = arith.addf %get3A_3, %get3A_8 : vector<8192x128xf32>
    %add3A_16 = arith.addf %add3A, %get3A_13 : vector<8192x128xf32>
    %get3A_17 = arith.constant 0 : index
    %get3A_18 = arith.constant 0 : index
    %get3A_19 = memref.load %arg1[%get3A_17, %get3A_18] : memref<1x3xf32, #tpu.memory_space<smem>>
    %get3A_20 = arith.constant 0 : index
    %get3A_21 = arith.constant 1 : index
    %get3A_22 = memref.load %arg1[%get3A_20, %get3A_21] : memref<1x3xf32, #tpu.memory_space<smem>>
    %get3A_23 = arith.constant 0 : index
    %get3A_24 = arith.constant 2 : index
    %get3A_25 = memref.load %arg1[%get3A_23, %get3A_24] : memref<1x3xf32, #tpu.memory_space<smem>>
    %mul3A = vector.broadcast %get3A_22 : f32 to vector<8192x128xf32>
    %mul3A_26 = arith.mulf %add3A_16, %mul3A : vector<8192x128xf32>
    %sub3A = arith.subf %get3A_19, %get3A_22 : f32
    %mul3A_27 = vector.broadcast %sub3A : f32 to vector<8192x128xf32>
    %mul3A_28 = arith.mulf %min3A_14, %mul3A_27 : vector<8192x128xf32>
    %add3A_29 = arith.addf %mul3A_26, %mul3A_28 : vector<8192x128xf32>
    %sub3A_30 = arith.subf %get3A_25, %get3A_22 : f32
    %mul3A_31 = vector.broadcast %sub3A_30 : f32 to vector<8192x128xf32>
    %mul3A_32 = arith.mulf %max3A_15, %mul3A_31 : vector<8192x128xf32>
    %add3A_33 = arith.addf %add3A_29, %mul3A_32 : vector<8192x128xf32>
    %get3A_34 = arith.constant 0 : index
    %get3A_35 = memref.load %arg2[%get3A_34] : memref<1xf32, #tpu.memory_space<smem>>
    %add3A_36 = vector.broadcast %get3A_35 : f32 to vector<8192x128xf32>
    %add3A_37 = arith.addf %add3A_33, %add3A_36 : vector<8192x128xf32>
    %swap3A = arith.constant 0 : index
    %swap3A_38 = arith.constant 0 : index
    %swap3A_39 = vector.load %arg4[%swap3A, %swap3A_38] : memref<8192x128xf32, #tpu.memory_space<vmem>>, vector<8192x128xf32>
    tpu.vector_store %arg4[%swap3A, %swap3A_38], %add3A_37 {strides = array<i32>} : memref<8192x128xf32, #tpu.memory_space<vmem>>, vector<8192x128xf32>,
    return
  }
  func.func @transform_0(%arg0: i32) -> (i32, i32) {
    %c0_i32 = arith.constant 0 : i32
    %c0_i32_0 = arith.constant 0 : i32
    %c0_i32_1 = arith.constant 0 : i32
    return %c0_i32, %c0_i32_0 : i32, i32
  }
  func.func @transform_1(%arg0: i32) -> i32 {
    %c0_i32 = arith.constant 0 : i32
    %c0_i32_0 = arith.constant 0 : i32
    return %c0_i32 : i32
  }
  func.func @transform_2(%arg0: i32) -> (i32, i32, i32) {
    %c0_i32 = arith.constant 0 : i32
    %c0_i32_0 = arith.constant 0 : i32
    %c0_i32_1 = arith.constant 0 : i32
    return %c0_i32, %arg0, %c0_i32_0 : i32, i32, i32
  }
  func.func @transform_3(%arg0: i32) -> (i32, i32) {
    %c0_i32 = arith.constant 0 : i32
    %c0_i32_0 = arith.constant 0 : i32
    return %arg0, %c0_i32 : i32, i32
  }
}

</mosaic_0001>

<sc_bundles>
// kernel: sparse-core-data-format-call.cloned.1.call-start
scs
called_computation_lowered:
.L_overlay_start_0:
0x0: {  	s2 =	sld [smem:$0x3FD9]  }
0x1: {  	s3 =	sld [smem:$0x3FFE];
	_ =	sdelay $0x1  }
0x2: {  	s1 =	srdreg.scid  }
0x3: {  	s0 =	sand.u32 $0x1, s1  }
0x4: {  	s18 =	sshll.u32 s0, $0xA;
	s2 =	sadd.s32 s3, s2  }
0x5: {  	s2 =	sadd.s32 s2, s18  }
0x6: {  	[smem:$0x3FC5] =	sst s2  }
0x7: {  	_ = 	snop  }
0x8: {  	s2 =	sld [smem:$0x3FC9];
	(tm) =	ssettm $0x1  }
0x9: {  	s19 =	sld [smem:$0x3FFB];
	_ =	sdelay $0x3  }
0xa: {  	_ =	strace s19  }
0xb: {  	s3 =	sld [smem:$0x3FFC];
	_ =	sdelay $0x3  }
0xc: {  	_ =	strace s3  }
0xd: {  	s3 =	sld [smem:$0x3FFD];
	_ =	sdelay $0x3  }
0xe: {  	_ =	strace s3  }
0xf: {  	_ =	strace $0x8FFFFFFF  }
0x10: {  	s20 =	sld [smem:$0x3FDB];
	_ =	sdelay $0x1  }
0x11: {  	s4 =	simm.s32 $_scs_section_size  }
0x12: {  	s5 =	simm.s32 $_size__tile_overlayer_lowered;
	s6 =	simm.s32 $_tile_overlayer_lowered  }
0x13: {  	s23 =	simm.s32 $0x1BFF;
	s22 =	sshll.u32 s6, $0x1;
	s3 =	sadd.s32 s4, s20  }
0x14: {  	s7 =	simm.s32 $0x0;
	s21 =	sshll.u32 s5, $0x1;
	s5 =	sadd.s32 s22, s3  }
0x15: {  	[timem:s7], [sflag:s23] =	dma.local [hbm:s5], s21  }
0x16: {  	_ =	swait.ge [sflag:s23], s21  }
0x17: {  	s4 =	ssub.s32 $0x0, s21;
	[sflag:s23] =	ssyncset.done $0x0  }
0x18: {  	[sflag:s23] =	ssyncadd.s32 s4;
	_ =	sdelay $0x1  }
0x19: {  	s24 =	simm.s32 $0x1B8B  }
0x1a: {  	_ =	swait.ge [sflag:s24], $0x1  }
0x1b: {  	[sflag:s24] =	ssyncset.done $0x0  }
0x1c: {  	s26 =	simm.s32 $0x1B8E;
	s25 =	sld [smem:$0x3FFE];
	[sflag:s24] =	ssyncadd.s32 $0xFFFFFFFF  }
0x1d: {  	s27 =	simm.s32 $execute0_lowered;
	[smem:$0x3FD2] =	sst s26  }
0x1e: {  	s5 =	sshll.u32 s27, $0x1;
	_ =	strace $0x80000046;
	[dreg:$0x1] =	wrdreg $0xFFFFFFFF  }
0x1f: {  	s28 =	simm.s32 $_size_execute0_lowered;
	s3 =	sadd.s32 s3, s5;
	[dreg:$0x0] =	wrdreg $0x0  }
0x20: {  	s5 =	sshll.u32 s28, $0x1;
	[dreg:$0x2] =	wrdreg s3  }
0x21: {  	[dreg:$0x3] =	wrdreg s5  }
0x22: {  	[dreg:$0x4] =	wrdreg $0xC0  }
0x23: {  	_ =	task [dreg:s7], $0x5FFFF  }
0x24: {  	[dreg:$0x1] =	wrdreg $0xFFFFFFFF  }
0x25: {  	[dreg:$0x0] =	wrdreg $0x60  }
0x26: {  	[dreg:$0x2] =	wrdreg s2  }
0x27: {  	[dreg:$0x3] =	wrdreg s25  }
0x28: {  	[dreg:$0x4] =	wrdreg $0x9  }
0x29: {  	_ =	task.clear_ibuf [dreg:s7], $0x5FFFF;
	_ =	strace $0x90000046  }
0x2a: {  	s29 =	simm.s32 $0x9;
	_ =	strace $0x80000048  }
0x2b: {  	_ =	swait.ge [sflag:s29], $0x1  }
0x2c: {  	[sflag:s29] =	ssyncadd.s32 $0xFFFFFFFF  }
0x2d: {  	_ =	strace $0x90000048  }
0x2e: {  	_ =	sfence  }
0x2f: {  	s30 =	sld [smem:$0x0];
	_ =	sdelay $0x2  }
0x30: {  	s31 =	sshll.u32 s1, $0xD;
	s1 =	sshrl.u32 s1, $0x2  }
0x31: {  	s3 =	sand.u32 $0x4000, s31;
	s1 =	sadd.s32 s1, s30  }
0x32: {  	s0 =	sor.u32 s3, s0;
	s1 =	sshll.u32 s1, $0x11  }
0x33: {  	s0 =	sor.u32 s1, s0  }
0x34: {  	s0 =	sadd.s32 $0x8F2B, s0  }
0x35: {  	[sflag:s0] =	ssyncadd.remote.s32 $0x1  }
0x36: {  	_ =	sfence.sel $0xFFFF  }
0x37: {  	[dreg:$0x0] =	wrdreg $0xFFFFFFFF;
	(pc) =	sbr.abs _section_cstart, $3  }
0x38: {  	[dreg:$0x1] =	wrdreg $0xFFFFFFFF  }
0x39: {  	_ =	task.clear_ibuf [dreg:s7], $0x2FFFF;
	_ =	strace $0x9FFFFFFF  }
0x3a: {  	(tm) =	ssettm $0x7FFFFFFF  }
0x3b: {  	_ =	shalt  }
tec
execute0_lowered:
.L_overlay_start_1:
0x0: {  	(tag) =	ssettag $0x1  }
0x1: {  	s0 =	srdreg.scid  }
0x2: {  	s1 =	sshll.u32 s0, $0x4  }
0x3: {  	s0 =	stileid.u32;
	s1 =	sand.u32 $0x10, s1  }
0x4: {  	s3 =	rddreg [dreg:$0x0];
	s1 =	sor.u32 s0, s1  }
0x5: {  	s6 =	rddreg [dreg:$0x1];
	s2 =	sshll.u32 s1, $0x7  }
0x6: {  	s7 =	simm.s32 $0x2;
	s8 =	simm.s32 $0x0;
	s1 =	ssub.s32 $0x8000, s2  }
0x7: {  	s9 =	simm.s32 $0x0;
	s13 =	simm.s32 $0x0;
	s4 =	sand.u32 $0xF80, s1  }
0x8: {  	s14 =	simm.s32 $0x0;
	p0 =	sne.s32 s4, $0x0;
	s4 =	simm.s32 $0x1  }
.Ltmp0:
0x9: {  	s5 =	sshrl.u32 s1, $0xC;
	s4 =	simm.s32 @!p0 $0x0;
	(pc) =	sbr.rel .LBB1_1-.Ltmp0, $4  }
0xa: {  	s10 =	simm.s32 $0x0;
	s1 =	rddreg [dreg:$0x2];
	s5 =	sadd.s32 s4, s5  }
0xb: {  	_ =	strace $0x80000047;
	s4 =	simm.s32 $0x1;
	s5 =	smul.u32 $0x3, s5  }
0xc: {  	s12 =	simm.s32 $0x0;
	s6 =	sadd.s32 $0x600, s6;
	[sflag:s4] =	ssyncpa.u1 $0x0  }
0xd: {  	s11 =	smov.u32 s2;
	[sflag:s7] =	ssyncpa.u1 $0x0;
	s7 =	sadd.s32 $0x1, s5  }
.LBB1_4:
0xe: {  	_ =	sdelay $0x3  }
0xf: {  	[tilespmem:v0+s16+$0xFFFFFFD0 ss:$0x1] =	vst.idx.msk $0xffff, v6  }
0x10: {  	v56 =	vld.idx.msk [tilespmem:v1+s17+$0x0 ss:$0x1], $0xffff;
	[tilespmem:v0+s16+$0xFFFFFFE0 ss:$0x1] =	vst.idx.msk $0xffff, v4  }
0x11: {  	v57 =	vld.idx.msk [tilespmem:v1+s17+$0xFFFFFF90 ss:$0x1], $0xffff;
	[tilespmem:v0+s16+$0xFFFFFFF0 ss:$0x1] =	vst.idx.msk $0xffff, v2  }
0x12: {  	v58 =	vld.idx.msk [tilespmem:v1+s17+$0xFFFFFFA0 ss:$0x1], $0xffff;
	[tilespmem:v0+s16+$0x0 ss:$0x1] =	vst.idx.msk $0xffff, v3  }
0x13: {  	v59 =	vld.idx.msk [tilespmem:v1+s17+$0xFFFFFFB0 ss:$0x1], $0xffff;
	[tilespmem:v0+s16+$0x10 ss:$0x1] =	vst.idx.msk $0xffff, v5  }
0x14: {  	v60 =	vld.idx.msk [tilespmem:v1+s17+$0xFFFFFFC0 ss:$0x1], $0xffff;
	[tilespmem:v0+s16+$0x20 ss:$0x1] =	vst.idx.msk $0xffff, v7  }
0x15: {  	v61 =	vld.idx.msk [tilespmem:v1+s17+$0xFFFFFFD0 ss:$0x1], $0xffff;
	[tilespmem:v0+s17+$0x30 ss:$0x1] =	vst.idx.msk $0xffff, v56  }
0x16: {  	v62 =	vld.idx.msk [tilespmem:v1+s17+$0xFFFFFFE0 ss:$0x1], $0xffff;
	[tilespmem:v0+s17+$0xFFFFFFC0 ss:$0x1] =	vst.idx.msk $0xffff, v57  }
0x17: {  	v63 =	vld.idx.msk [tilespmem:v1+s17+$0xFFFFFFF0 ss:$0x1], $0xffff;
	[tilespmem:v0+s17+$0xFFFFFFD0 ss:$0x1] =	vst.idx.msk $0xffff, v58  }
0x18: {  	[tilespmem:v0+s17+$0xFFFFFFE0 ss:$0x1] =	vst.idx.msk $0xffff, v59  }
0x19: {  	s14 =	sshll.u32 s14, $0x4;
	[tilespmem:v0+s17+$0xFFFFFFF0 ss:$0x1] =	vst.idx.msk $0xffff, v60  }
0x1a: {  	s14 =	sand.u32 $0x7FFF0, s14;
	[tilespmem:v0+s17+$0x0 ss:$0x1] =	vst.idx.msk $0xffff, v61  }
0x1b: {  	s13 =	sshll.u32 s13, $0x13;
	s14 =	sadd.s32 s6, s14;
	[tilespmem:v0+s17+$0x10 ss:$0x1] =	vst.idx.msk $0xffff, v62  }
0x1c: {  	s13 =	sadd.s32 s13, s14;
	[tilespmem:v0+s17+$0x20 ss:$0x1] =	vst.idx.msk $0xffff, v63  }
0x1d: {  	[hbm4b:s13+s8] =	stream.linear.scatter [tilespmem:s15], [sflag:$0x2], $0x4000, $0x38;
	[tilespmem:$0x10000] =	vst v63  }
.LBB1_5:
0x1e: {  	s15 =	sadd.s32 $0x1, s10  }
0x1f: {  	s13 =	sadd.s32 $0x1000, s11;
	s17 =	smov.u32 s11;
	p1 =	sgt.s32 s15, $0x2  }
0x20: {  	s17 =	smov.u32 @p1 s13  }
0x21: {  	s15 =	simm.s32 @p1 $0x0;
	p1 =	sgt.s32 s17, $0x7FFF  }
0x22: {  	s17 =	smov.u32 @p1 s2;
	p1 =	sne.s32 s12, s7  }
.Ltmp1:
0x23: {  	p0 =	slt.u32 s12, $0x2;
	(pc) =	sbr.rel @!p1 .LBB1_6-.Ltmp1, $4  }
0x24: {  	s16 =	simm.s32 @!p0 $0x2  }
0x25: {  	s14 =	smov.u32 s11;
	s9 =	sadd.s32 $0x4000, s9;
	_ =	swait.ge @!p0 [sflag:s16], $0x4000  }
0x26: {  	s13 =	smov.u32 s10;
	[sflag:s16] =	ssyncset.done @!p0 $0x0;
	s10 =	smov.u32 s15  }
0x27: {  	s12 =	sadd.s32 $0x1, s12;
	[sflag:s16] =	ssyncadd.s32 @!p0 $0xFFFFC000;
	s11 =	smov.u32 s17  }
.LBB1_1:
0x28: {  	p0 =	sge.u32 s12, s5  }
0x29: {  	s31 =	sadd.s32 $0xFFFFFFFF, s12;
	s15 =	sxor.u32 @!p0 $0xFFFFFFFF, s12  }
0x2a: {  	s16 =	sshll.u32 @!p0 s11, $0x6;
	s17 =	sshll.u32 @!p0 s10, $0x4;
	s18 =	simm.s32 @!p0 $0x200  }
0x2b: {  	s15 =	sshll.u32 @!p0 s15, $0xE;
	s17 =	sand.u32 @!p0 $0x30, s17;
	s16 =	sadd.s32 @!p0 s3, s16  }
0x2c: {  	s15 =	sand.u32 @!p0 $0x4000, s15;
	s16 =	sadd.s32 @!p0 s17, s16;
	s17 =	simm.s32 @!p0 $0x80  }
0x2d: {  	[tilespmem:s15], [sflag:$0x1] =	stream.strided.gather @!p0 [hbm4b:s16+s17], $0x4000, s18, s17, $0x38;
	[tilespmem:$0x10000] =	vst v63  }
0x2e: {  	p0 =	sge.u32 s31, s5  }
.Ltmp2:
0x2f: {  	_ = 	snop;
	(pc) =	sbr.rel @p0 .LBB1_5-.Ltmp2, $1  }
0x30: {  	_ =	sdelay $0x3  }
0x31: {  	s15 =	sand.u32 $0x4000, s9  }
0x32: {  	s16 =	sor.u32 $0x70, s15  }
0x33: {  	v1 =	vmov s16;
	_ =	sdelay $0x1  }
0x34: {  	_ =	swait.ge [sflag:s4], $0x4000  }
0x35: {  	[sflag:s4] =	ssyncset.done $0x0  }
0x36: {  	[sflag:s4] =	ssyncadd.s32 $0xFFFFC000;
	s16 =	simm.s32 $0x0  }
0x37: {  	s15 =	sor.u32 $0x8040, s15;
	v7 =	vld.idx.msk [tilespmem:v1+s16+$0x0 ss:$0x1], $0xffff  }
0x38: {  	v0 =	vmov s15;
	v8 =	vld.idx.msk [tilespmem:v1+s16+$0xFFFFFF90 ss:$0x1], $0xffff  }
0x39: {  	v6 =	vld.idx.msk [tilespmem:v1+s16+$0xFFFFFFA0 ss:$0x1], $0xffff  }
0x3a: {  	v4 =	vld.idx.msk [tilespmem:v1+s16+$0xFFFFFFB0 ss:$0x1], $0xffff  }
0x3b: {  	v2 =	vld.idx.msk [tilespmem:v1+s16+$0xFFFFFFC0 ss:$0x1], $0xffff  }
0x3c: {  	s31 =	sshll.u32 s12, $0xE;
	v3 =	vld.idx.msk [tilespmem:v1+s16+$0xFFFFFFD0 ss:$0x1], $0xffff  }
0x3d: {  	s15 =	sand.u32 $0x4000, s31;
	v5 =	vld.idx.msk [tilespmem:v1+s16+$0xFFFFFFE0 ss:$0x1], $0xffff;
	[tilespmem:v0+s16+$0x30 ss:$0x1] =	vst.idx.msk $0xffff, v7  }
0x3e: {  	s17 =	simm.s32 $0x80;
	s18 =	simm.s32 $0x400;
	s15 =	sor.u32 $0x8000, s15;
	[tilespmem:v0+s16+$0xFFFFFFC0 ss:$0x1] =	vst.idx.msk $0xffff, v8;
	v7 =	vld.idx.msk [tilespmem:v1+s16+$0xFFFFFFF0 ss:$0x1], $0xffff  }
.LBB1_3:
0x3f: {  	p0 =	sne.s32 s18, $0xFE00;
	v8 =	vld.idx.msk [tilespmem:v1+s17+$0x0 ss:$0x1], $0xffff;
	[tilespmem:v0+s16+$0xFFFFFFD0 ss:$0x1] =	vst.idx.msk $0xffff, v6  }
0x40: {  	v9 =	vld.idx.msk [tilespmem:v1+s17+$0xFFFFFF90 ss:$0x1], $0xffff;
	[tilespmem:v0+s16+$0xFFFFFFE0 ss:$0x1] =	vst.idx.msk $0xffff, v4  }
0x41: {  	v6 =	vld.idx.msk [tilespmem:v1+s17+$0xFFFFFFA0 ss:$0x1], $0xffff;
	[tilespmem:v0+s16+$0xFFFFFFF0 ss:$0x1] =	vst.idx.msk $0xffff, v2  }
.Ltmp3:
0x42: {  	v4 =	vld.idx.msk [tilespmem:v1+s17+$0xFFFFFFB0 ss:$0x1], $0xffff;
	[tilespmem:v0+s16+$0x0 ss:$0x1] =	vst.idx.msk $0xffff, v3;
	(pc) =	sbr.rel @p0 .LBB1_3-.Ltmp3, $4  }
0x43: {  	v2 =	vld.idx.msk [tilespmem:v1+s17+$0xFFFFFFC0 ss:$0x1], $0xffff;
	[tilespmem:v0+s16+$0x10 ss:$0x1] =	vst.idx.msk $0xffff, v5  }
0x44: {  	v3 =	vld.idx.msk [tilespmem:v1+s17+$0xFFFFFFD0 ss:$0x1], $0xffff;
	[tilespmem:v0+s16+$0x20 ss:$0x1] =	vst.idx.msk $0xffff, v7;
	s16 =	smov.u32 s17  }
0x45: {  	v5 =	vld.idx.msk [tilespmem:v1+s16+$0xFFFFFFE0 ss:$0x1], $0xffff;
	[tilespmem:v0+s16+$0x30 ss:$0x1] =	vst.idx.msk $0xffff, v8  }
0x46: {  	s17 =	sshra.s32 s18, $0x2;
	s18 =	sadd.s32 $0x200, s18;
	[tilespmem:v0+s16+$0xFFFFFFC0 ss:$0x1] =	vst.idx.msk $0xffff, v9;
	v7 =	vld.idx.msk [tilespmem:v1+s16+$0xFFFFFFF0 ss:$0x1], $0xffff  }
.Ltmp4:
0x47: {  	_ = 	snop;
	(pc) =	sbr.rel .LBB1_4-.Ltmp4, $1  }
0x48: {  	_ =	sdelay $0x3  }
.LBB1_6:
0x49: {  	_ =	sfence.sel $0x180000  }
0x4a: {  	s2 =	simm.s32 $0x1;
	[bflag:$0x0] =	sbarrier.arrive $0xFFFF  }
0x4b: {  	s31 =	simm.s32 $0x2;
	[sflag:s2] =	ssyncpa.u1 $0x1  }
0x4c: {  	[sflag:s31] =	ssyncpa.u1 $0x1  }
0x4d: {  	p0 =	sne.s32 s0, $0x0;
	_ =	strace $0x90000047  }
0x4e: {  	s0 =	sadd.s32 @!p0 $0x100000, s1;
	[bflag:$0x2] =	sbarrier.arrive $0xFFFF  }
0x4f: {  	[sflag:s0] =	ssyncadd.tile.s32 @!p0 $0x1;
	_ =	shalt  }
.Lfunc_end1:
_tile_overlayer_lowered:
.L_overlay_start_2:
0x50: {  	(tag) =	ssettag $0x2  }
0x51: {  	s0 =	rddreg [dreg:$0x0];
	s2 =	stileid.u32  }
0x52: {  	s1 =	rddreg [dreg:$0x1];
	p0 =	sne.s32 s2, $0x0  }
0x53: {  	s3 =	rddreg [dreg:$0x2];
	[bflag:$0x3] =	sbarrier.arrive $0xFFFF;
	s2 =	simm.s32 @!p0 $0x1C01  }
0x54: {  	[timem:s3], [sflag:s2] =	dma.local @!p0 [hbm:s0], s1  }
0x55: {  	s0 =	simm.s32 @!p0 $0x1  }
0x56: {  	_ =	swait.ge @!p0 [sflag:s0], s1  }
0x57: {  	s1 =	ssub.s32 @!p0 $0x0, s1;
	[sflag:s0] =	ssyncset.done @!p0 $0x0  }
0x58: {  	[sflag:s0] =	ssyncadd.s32 @!p0 s1  }
0x59: {  	[bflag:$0x3] =	sbarrier.arrive $0xFFFF  }
0x5a: {  	_ =	shalt  }

</sc_bundles>
